<compile_context>
chip_gen: v7x
topology: tpu7x:2x2x1
jax: 0.10.2.dev20260603
libtpu: 0.0.44.dev20260713+nightly
codegen_flags: <defaults>
</compile_context>

<pallas_src>
import functools

import jax
import jax.numpy as jnp
from jax import lax
from jax.experimental import pallas as pl
from jax.experimental.pallas import tpu as pltpu
from jax.experimental.pallas import tpu_sc as plsc

N_NODES = 10000
N_EDGES = 320000
D = 128

NUM_CORES = 2
NUM_SUBCORES = 16
NUM_TILES = NUM_CORES * NUM_SUBCORES

CHUNK = 128
EDGES_PER_TILE = N_EDGES // NUM_TILES
FULL_CHUNKS = EDGES_PER_TILE // CHUNK
TAIL = EDGES_PER_TILE - FULL_CHUNKS * CHUNK
N_ACC = 10240
ROWS_PER_TILE_ZERO = N_ACC // NUM_SUBCORES
ROWS_PER_TILE_OUT = 624

_MM_BLOCK = 1000


def _stage1_body(x_ref, wlT_ref, bl_ref, xl_ref):
    xl_ref[...] = (
        jnp.dot(x_ref[...], wlT_ref[...], preferred_element_type=jnp.float32)
        + bl_ref[...]
    )


def _stage1(x, wlT, bl2d):
    grid = (N_NODES // _MM_BLOCK,)
    return pl.pallas_call(
        _stage1_body,
        grid=grid,
        in_specs=[
            pl.BlockSpec((_MM_BLOCK, D), lambda i: (i, 0)),
            pl.BlockSpec((D, D), lambda i: (0, 0)),
            pl.BlockSpec((1, D), lambda i: (0, 0)),
        ],
        out_specs=pl.BlockSpec((_MM_BLOCK, D), lambda i: (i, 0)),
        out_shape=jax.ShapeDtypeStruct((N_NODES, D), jnp.float32),
    )(x, wlT, bl2d)


def _sc_body(
    xl_hbm, src_hbm, dst_hbm, out_hbm,
    srcA, dstA, srcT, dstT, rA,
    acc_sh,
    gA,
):
    cid = lax.axis_index("c")
    sid = lax.axis_index("s")
    tile = cid * NUM_SUBCORES + sid
    e0 = tile * EDGES_PER_TILE

    zeros16 = jnp.zeros((16,), jnp.float32)

    def zero_body(i, carry):
        r = i // (D // 16)
        c = i % (D // 16)
        rA[r, pl.ds(c * 16, 16)] = zeros16
        return carry

    lax.fori_loop(0, CHUNK * (D // 16), zero_body, 0)

    def zcopy_body(j, carry):
        pltpu.sync_copy(
            rA,
            acc_sh.at[pl.ds(sid * ROWS_PER_TILE_ZERO + j * CHUNK, CHUNK)],
        )
        return carry

    lax.fori_loop(0, ROWS_PER_TILE_ZERO // CHUNK, zcopy_body, 0)
    plsc.subcore_barrier()

    def body(i, carry):
        base = e0 + i * CHUNK
        pltpu.sync_copy(src_hbm.at[pl.ds(base, CHUNK)], srcA)
        g = pltpu.async_copy(xl_hbm.at[srcA], rA, gA)
        pltpu.sync_copy(dst_hbm.at[pl.ds(base, CHUNK)], dstA)
        g.wait()
        pltpu.sync_copy(rA, acc_sh.at[dstA], add=True)
        return carry

    lax.fori_loop(0, FULL_CHUNKS, body, 0)

    tbase = e0 + FULL_CHUNKS * CHUNK
    pltpu.sync_copy(src_hbm.at[pl.ds(tbase, TAIL)], srcT)
    g = pltpu.async_copy(xl_hbm.at[srcT], rA.at[pl.ds(0, TAIL)], gA)
    pltpu.sync_copy(dst_hbm.at[pl.ds(tbase, TAIL)], dstT)
    g.wait()
    pltpu.sync_copy(rA.at[pl.ds(0, TAIL)], acc_sh.at[dstT], add=True)
    plsc.subcore_barrier()

    row0 = sid * ROWS_PER_TILE_OUT
    pltpu.sync_copy(
        acc_sh.at[pl.ds(row0, ROWS_PER_TILE_OUT)],
        out_hbm.at[pl.ds(cid * N_NODES + row0, ROWS_PER_TILE_OUT)],
    )
    tail0 = NUM_SUBCORES * ROWS_PER_TILE_OUT
    tail = N_NODES - tail0

    @pl.when(sid == NUM_SUBCORES - 1)
    def _write_tail():
        pltpu.sync_copy(
            acc_sh.at[pl.ds(tail0, tail)],
            out_hbm.at[pl.ds(cid * N_NODES + tail0, tail)],
        )


_sc_stage = functools.partial(
    pl.kernel,
    out_type=jax.ShapeDtypeStruct((NUM_CORES * N_NODES, D), jnp.float32),
    mesh=plsc.VectorSubcoreMesh(core_axis_name="c", subcore_axis_name="s"),
    scratch_types=(
        [pltpu.VMEM((CHUNK,), jnp.int32) for _ in range(2)]
        + [pltpu.VMEM((TAIL,), jnp.int32) for _ in range(2)]
        + [pltpu.VMEM((CHUNK, D), jnp.float32)]
        + [pltpu.VMEM_SHARED((N_ACC, D), jnp.float32)]
        + [pltpu.SemaphoreType.DMA]
    ),
)(_sc_body)


def _stage3_body(p0_ref, p1_ref, x_ref, wrT_ref, out_ref):
    out_ref[...] = (
        p0_ref[...]
        + p1_ref[...]
        + jnp.dot(x_ref[...], wrT_ref[...], preferred_element_type=jnp.float32)
    )


def _stage3(p0, p1, x, wrT):
    grid = (N_NODES // _MM_BLOCK,)
    spec = pl.BlockSpec((_MM_BLOCK, D), lambda i: (i, 0))
    return pl.pallas_call(
        _stage3_body,
        grid=grid,
        in_specs=[spec, spec, spec, pl.BlockSpec((D, D), lambda i: (0, 0))],
        out_specs=spec,
        out_shape=jax.ShapeDtypeStruct((N_NODES, D), jnp.float32),
    )(p0, p1, x, wrT)


def kernel(x, edge_index, W_l, b_l, W_r):
    xl = _stage1(x, W_l.T, b_l.reshape(1, D))
    parts = _sc_stage(xl, edge_index[0], edge_index[1])
    return _stage3(parts[:N_NODES], parts[N_NODES:], x, W_r.T)

# --- scband reference (transcript-rebuilt; emitter-appended) ---
"""Pipeline reference for scband-cbmsage-26087631356377 (READ-ONLY COPY).

The authoritative reference and input builder live on the scoring server;
editing this copy changes nothing except your own understanding.
"""

import jax, jax.numpy as jnp
import numpy as np

N_NODES = 10000
N_EDGES = 320000
D_IN = 128
D_OUT = 128

def setup_inputs(seed: int = 0) -> dict:
    key = jax.random.key(seed)
    k1, k2, k3, k4, k5 = jax.random.split(key, 5)
    x = jax.random.normal(k1, (N_NODES, D_IN), dtype=jnp.float32)
    edge_index = jax.random.randint(k2, (2, N_EDGES), 0, N_NODES, dtype=jnp.int32)
    # Learned parameters sized per init_kwargs (lin_l has bias, lin_r has none)
    W_l = jax.random.normal(k3, (D_OUT, D_IN), dtype=jnp.float32) * 0.05
    b_l = jax.random.normal(k4, (D_OUT,), dtype=jnp.float32) * 0.05
    W_r = jax.random.normal(k5, (D_OUT, D_IN), dtype=jnp.float32) * 0.05
    return {"x": x, "edge_index": edge_index, "W_l": W_l, "b_l": b_l, "W_r": W_r}

def reference(x, edge_index, W_l, b_l, W_r):
    # x_l = lin_l(x)
    x_l = x @ W_l.T + b_l
    # out_l = A @ x_l : sparse adjacency matmul == scatter-add of gathered
    # source-node features onto destination nodes (cbm4sage.matmul)
    src = edge_index[0]
    dst = edge_index[1]
    gathered = jnp.take(x_l, src, axis=0)
    out_l = jax.ops.segment_sum(gathered, dst, num_segments=x.shape[0])
    # out_r = lin_r(x)  (no bias)
    out_r = x @ W_r.T
    return out_l + out_r

if __name__ == "__main__":
    import jax
    _d = setup_inputs()
    print(jax.jit(kernel)(*tuple(_d.values())))

</pallas_src>

<mosaic_0001>
#map = affine_map<(d0, d1) -> (0, 0)>
#map1 = affine_map<(d0, d1) -> (0)>
module attributes {stable_mosaic.version = 14 : i64} {
  func.func @_sc_body(%arg0: i32, %arg1: i32, %arg2: memref<10000x128xf32, #tpu.memory_space<hbm>>, %arg3: memref<320000xi32, #tpu.memory_space<hbm>>, %arg4: memref<320000xi32, #tpu.memory_space<hbm>>, %arg5: memref<20000x128xf32, #tpu.memory_space<hbm>>, %arg6: memref<128xi32, #tpu.memory_space<vmem>>, %arg7: memref<128xi32, #tpu.memory_space<vmem>>, %arg8: memref<16xi32, #tpu.memory_space<vmem>>, %arg9: memref<16xi32, #tpu.memory_space<vmem>>, %arg10: memref<128x128xf32, #tpu.memory_space<vmem>>, %arg11: memref<10240x128xf32, #tpu.memory_space<vmem_shared>>, %arg12: memref<!tpu.dma_semaphore, #tpu.memory_space<semaphore_mem>>) attributes {dimension_semantics = [#tpu.dimension_semantics<core_parallel>, #tpu.dimension_semantics<subcore_parallel>], iteration_bounds = array<i64: 2, 16>, scalar_prefetch = 0 : i64, scratch_operands = 7 : i64, tpu.core_type = #tpu.core_type<sc_vector_subcore>, window_params = [{transform_indices = #map}, {transform_indices = #map1}, {transform_indices = #map1}, {transform_indices = #map}]} {
    %mul3A = arith.constant 16 : i32
    %mul3A_0 = arith.muli %arg0, %mul3A : i32
    %add3A = arith.addi %mul3A_0, %arg1 : i32
    %mul3A_1 = arith.constant 10000 : i32
    %mul3A_2 = arith.muli %add3A, %mul3A_1 : i32
    %broadcast_in_dim3A = arith.constant 0.000000e+00 : f32
    %broadcast_in_dim3A_3 = vector.broadcast %broadcast_in_dim3A : f32 to vector<16xf32>
    %scan3A = arith.constant 0 : i32
    %scan3A_4 = arith.constant 0 : i32
    %scan3A_5 = arith.constant 1024 : i32
    %scan3A_6 = arith.addi %scan3A_4, %scan3A_5 : i32
    %scan3A_7 = arith.constant 1 : i32
    scf.for %scan3A_41 = %scan3A_4 to %scan3A_6 step %scan3A_7  : i32 {
      %jit3A = arith.constant 8 : i32
      %div3A = arith.divsi %scan3A_41, %jit3A : i32
      %sign3A = arith.constant 0 : i32
      %sign3A_42 = arith.cmpi sgt, %scan3A_41, %sign3A : i32
      %sign3A_43 = arith.extui %sign3A_42 : i1 to i32
      %sign3A_44 = arith.constant 0 : i32
      %sign3A_45 = arith.cmpi slt, %scan3A_41, %sign3A_44 : i32
      %sign3A_46 = arith.extui %sign3A_45 : i1 to i32
      %sign3A_47 = arith.subi %sign3A_43, %sign3A_46 : i32
      %sign3A_48 = arith.constant 0 : i32
      %sign3A_49 = arith.cmpi sgt, %jit3A, %sign3A_48 : i32
      %sign3A_50 = arith.extui %sign3A_49 : i1 to i32
      %sign3A_51 = arith.constant 0 : i32
      %sign3A_52 = arith.cmpi slt, %jit3A, %sign3A_51 : i32
      %sign3A_53 = arith.extui %sign3A_52 : i1 to i32
      %sign3A_54 = arith.subi %sign3A_50, %sign3A_53 : i32
      %ne3A = arith.cmpi ne, %sign3A_47, %sign3A_54 : i32
      %rem3A = arith.remsi %scan3A_41, %jit3A : i32
      %ne3A_55 = arith.constant 0 : i32
      %ne3A_56 = arith.cmpi ne, %rem3A, %ne3A_55 : i32
      %and3A = arith.andi %ne3A, %ne3A_56 : i1
      %sub3A = arith.constant 1 : i32
      %sub3A_57 = arith.subi %div3A, %sub3A : i32
      %select_n3A = arith.select %and3A, %sub3A_57, %div3A : i32
      %jit3A_58 = arith.constant 8 : i32
      %eq3A_59 = arith.constant 0 : i32
      %eq3A_60 = arith.cmpi eq, %jit3A_58, %eq3A_59 : i32
      %jit3A_61 = arith.constant 1 : i32
      %select_n3A_62 = arith.select %eq3A_60, %jit3A_61, %jit3A_58 : i32
      %rem3A_63 = arith.remsi %scan3A_41, %select_n3A_62 : i32
      %ne3A_64 = arith.constant 0 : i32
      %ne3A_65 = arith.cmpi ne, %rem3A_63, %ne3A_64 : i32
      %lt3A = arith.constant 0 : i32
      %lt3A_66 = arith.cmpi slt, %rem3A_63, %lt3A : i32
      %lt3A_67 = arith.constant 0 : i32
      %lt3A_68 = arith.cmpi slt, %select_n3A_62, %lt3A_67 : i32
      %ne3A_69 = arith.xori %lt3A_66, %lt3A_68 : i1
      %and3A_70 = arith.andi %ne3A_69, %ne3A_65 : i1
      %add3A_71 = arith.addi %rem3A_63, %select_n3A_62 : i32
      %select_n3A_72 = arith.select %and3A_70, %add3A_71, %rem3A_63 : i32
      %mul3A_73 = arith.constant 16 : i32
      %mul3A_74 = arith.muli %select_n3A_72, %mul3A_73 : i32
      %swap3A = arith.index_cast %select_n3A : i32 to index
      %swap3A_75 = arith.index_cast %mul3A_74 : i32 to index
      %swap3A_76 = tpu.vector_load %arg10[%swap3A, %swap3A_75] {strides = array<i32>} : memref<128x128xf32, #tpu.memory_space<vmem>>, vector<1x16xf32>,
      %swap3A_77 = vector.shape_cast %swap3A_76 : vector<1x16xf32> to vector<16xf32>
      %swap3A_78 = vector.shape_cast %broadcast_in_dim3A_3 : vector<16xf32> to vector<1x16xf32>
      tpu.vector_store %arg10[%swap3A, %swap3A_75], %swap3A_78 {strides = array<i32>} : memref<128x128xf32, #tpu.memory_space<vmem>>, vector<1x16xf32>,
    }
    %scan3A_8 = arith.constant 1024 : i32
    %scan3A_9 = arith.constant 0 : i32
    %scan3A_10 = arith.constant 0 : i32
    %scan3A_11 = arith.constant 5 : i32
    %scan3A_12 = arith.addi %scan3A_10, %scan3A_11 : i32
    %scan3A_13 = arith.constant 1 : i32
    scf.for %scan3A_41 = %scan3A_10 to %scan3A_12 step %scan3A_13  : i32 {
      %mul3A_42 = arith.constant 640 : i32
      %mul3A_43 = arith.muli %arg1, %mul3A_42 : i32
      %mul3A_44 = arith.constant 128 : i32
      %mul3A_45 = arith.muli %scan3A_41, %mul3A_44 : i32
      %add3A_46 = arith.addi %mul3A_43, %mul3A_45 : i32
      "tpu.region"() ({
        %run_scoped3A = tpu.sem_alloc : memref<!tpu.dma_semaphore, #tpu.memory_space<semaphore_mem>>
        %dma_start3A_47 = arith.constant 0 : i32
        %dma_start3A_48 = tpu.memref_slice %arg11[%add3A_46, %dma_start3A_47] : memref<10240x128xf32, #tpu.memory_space<vmem_shared>> -> memref<128x128xf32, #tpu.memory_space<vmem_shared>>
        %dma_start3A_49 = arith.constant 0 : i32
        %dma_start3A_50 = tpu.memref_slice %arg11[%add3A_46, %dma_start3A_49] : memref<10240x128xf32, #tpu.memory_space<vmem_shared>> -> memref<128x128xf32, #tpu.memory_space<vmem_shared>>
        tpu.enqueue_dma source(%arg10 : memref<128x128xf32, #tpu.memory_space<vmem>>) target(%dma_start3A_50 : memref<128x128xf32, #tpu.memory_space<vmem_shared>>) target_semaphore(%run_scoped3A : memref<!tpu.dma_semaphore, #tpu.memory_space<semaphore_mem>>)
        %dma_wait3A_51 = arith.constant 0 : i32
        %dma_wait3A_52 = tpu.memref_slice %arg11[%add3A_46, %dma_wait3A_51] : memref<10240x128xf32, #tpu.memory_space<vmem_shared>> -> memref<128x128xf32, #tpu.memory_space<vmem_shared>>
        %dma_wait3A_53 = arith.constant 0 : i32
        %dma_wait3A_54 = tpu.memref_slice %arg11[%add3A_46, %dma_wait3A_53] : memref<10240x128xf32, #tpu.memory_space<vmem_shared>> -> memref<128x128xf32, #tpu.memory_space<vmem_shared>>
        tpu.wait_dma2 semaphore(%run_scoped3A : memref<!tpu.dma_semaphore, #tpu.memory_space<semaphore_mem>>) src(%arg10 : memref<128x128xf32, #tpu.memory_space<vmem>>) dst(%dma_wait3A_54 : memref<128x128xf32, #tpu.memory_space<vmem_shared>>)
        tpu.yield
      }) : () -> ()
    }
    %scan3A_14 = arith.constant 5 : i32
    %barrier3A = arith.constant 0 : index
    tpu.barrier barrier_id(%barrier3A)
    %scan3A_15 = arith.constant 0 : i32
    %scan3A_16 = arith.constant 0 : i32
    %scan3A_17 = arith.constant 78 : i32
    %scan3A_18 = arith.addi %scan3A_16, %scan3A_17 : i32
    %scan3A_19 = arith.constant 1 : i32
    scf.for %scan3A_41 = %scan3A_16 to %scan3A_18 step %scan3A_19  : i32 {
      %mul3A_42 = arith.constant 128 : i32
      %mul3A_43 = arith.muli %scan3A_41, %mul3A_42 : i32
      %add3A_44 = arith.addi %mul3A_2, %mul3A_43 : i32
      "tpu.region"() ({
        %run_scoped3A = tpu.sem_alloc : memref<!tpu.dma_semaphore, #tpu.memory_space<semaphore_mem>>
        %dma_start3A_51 = tpu.memref_slice %arg3[%add3A_44] : memref<320000xi32, #tpu.memory_space<hbm>> -> memref<128xi32, #tpu.memory_space<hbm>>
        %dma_start3A_52 = tpu.memref_slice %arg3[%add3A_44] : memref<320000xi32, #tpu.memory_space<hbm>> -> memref<128xi32, #tpu.memory_space<hbm>>
        tpu.enqueue_dma source(%dma_start3A_52 : memref<128xi32, #tpu.memory_space<hbm>>) target(%arg6 : memref<128xi32, #tpu.memory_space<vmem>>) target_semaphore(%run_scoped3A : memref<!tpu.dma_semaphore, #tpu.memory_space<semaphore_mem>>)
        %dma_wait3A_53 = tpu.memref_slice %arg3[%add3A_44] : memref<320000xi32, #tpu.memory_space<hbm>> -> memref<128xi32, #tpu.memory_space<hbm>>
        %dma_wait3A_54 = tpu.memref_slice %arg3[%add3A_44] : memref<320000xi32, #tpu.memory_space<hbm>> -> memref<128xi32, #tpu.memory_space<hbm>>
        tpu.wait_dma2 semaphore(%run_scoped3A : memref<!tpu.dma_semaphore, #tpu.memory_space<semaphore_mem>>) src(%dma_wait3A_54 : memref<128xi32, #tpu.memory_space<hbm>>) dst(%arg6 : memref<128xi32, #tpu.memory_space<vmem>>)
        tpu.yield
      }) : () -> ()
      %dma_start3A_45 = arith.constant 0 : i32
      %dma_start3A_46 = arith.constant 0 : i32
      %dma_start3A_47 = tpu.memref_slice %arg2[%dma_start3A_45, %dma_start3A_46] : memref<10000x128xf32, #tpu.memory_space<hbm>> -> memref<10000x128xf32, #tpu.memory_space<hbm>>
      tpu.enqueue_indirect_dma source(%dma_start3A_47 : memref<10000x128xf32, #tpu.memory_space<hbm>>) target(%arg10 : memref<128x128xf32, #tpu.memory_space<vmem>>) offsets(%arg6 : memref<128xi32, #tpu.memory_space<vmem>>) semaphore(%arg12 : memref<!tpu.dma_semaphore, #tpu.memory_space<semaphore_mem>>)
      "tpu.region"() ({
        %run_scoped3A = tpu.sem_alloc : memref<!tpu.dma_semaphore, #tpu.memory_space<semaphore_mem>>
        %dma_start3A_51 = tpu.memref_slice %arg4[%add3A_44] : memref<320000xi32, #tpu.memory_space<hbm>> -> memref<128xi32, #tpu.memory_space<hbm>>
        %dma_start3A_52 = tpu.memref_slice %arg4[%add3A_44] : memref<320000xi32, #tpu.memory_space<hbm>> -> memref<128xi32, #tpu.memory_space<hbm>>
        tpu.enqueue_dma source(%dma_start3A_52 : memref<128xi32, #tpu.memory_space<hbm>>) target(%arg7 : memref<128xi32, #tpu.memory_space<vmem>>) target_semaphore(%run_scoped3A : memref<!tpu.dma_semaphore, #tpu.memory_space<semaphore_mem>>)
        %dma_wait3A_53 = tpu.memref_slice %arg4[%add3A_44] : memref<320000xi32, #tpu.memory_space<hbm>> -> memref<128xi32, #tpu.memory_space<hbm>>
        %dma_wait3A_54 = tpu.memref_slice %arg4[%add3A_44] : memref<320000xi32, #tpu.memory_space<hbm>> -> memref<128xi32, #tpu.memory_space<hbm>>
        tpu.wait_dma2 semaphore(%run_scoped3A : memref<!tpu.dma_semaphore, #tpu.memory_space<semaphore_mem>>) src(%dma_wait3A_54 : memref<128xi32, #tpu.memory_space<hbm>>) dst(%arg7 : memref<128xi32, #tpu.memory_space<vmem>>)
        tpu.yield
      }) : () -> ()
      %dma_wait3A_48 = arith.constant 0 : i32
      %dma_wait3A_49 = arith.constant 0 : i32
      %dma_wait3A_50 = tpu.memref_slice %arg2[%dma_wait3A_48, %dma_wait3A_49] : memref<10000x128xf32, #tpu.memory_space<hbm>> -> memref<10000x128xf32, #tpu.memory_space<hbm>>
      tpu.wait_indirect_dma semaphore(%arg12 : memref<!tpu.dma_semaphore, #tpu.memory_space<semaphore_mem>>) src(%dma_wait3A_50 : memref<10000x128xf32, #tpu.memory_space<hbm>>) dst(%arg10 : memref<128x128xf32, #tpu.memory_space<vmem>>)
      "tpu.region"() ({
        %run_scoped3A = tpu.sem_alloc : memref<!tpu.dma_semaphore, #tpu.memory_space<semaphore_mem>>
        %dma_start3A_51 = arith.constant 0 : i32
        %dma_start3A_52 = arith.constant 0 : i32
        %dma_start3A_53 = tpu.memref_slice %arg11[%dma_start3A_51, %dma_start3A_52] : memref<10240x128xf32, #tpu.memory_space<vmem_shared>> -> memref<10240x128xf32, #tpu.memory_space<vmem_shared>>
        tpu.enqueue_indirect_dma source(%arg10 : memref<128x128xf32, #tpu.memory_space<vmem>>) target(%dma_start3A_53 : memref<10240x128xf32, #tpu.memory_space<vmem_shared>>) offsets(%arg7 : memref<128xi32, #tpu.memory_space<vmem>>) semaphore(%run_scoped3A : memref<!tpu.dma_semaphore, #tpu.memory_space<semaphore_mem>>) {add = true}
        %dma_wait3A_54 = arith.constant 0 : i32
        %dma_wait3A_55 = arith.constant 0 : i32
        %dma_wait3A_56 = tpu.memref_slice %arg11[%dma_wait3A_54, %dma_wait3A_55] : memref<10240x128xf32, #tpu.memory_space<vmem_shared>> -> memref<10240x128xf32, #tpu.memory_space<vmem_shared>>
        tpu.wait_indirect_dma semaphore(%run_scoped3A : memref<!tpu.dma_semaphore, #tpu.memory_space<semaphore_mem>>) src(%arg10 : memref<128x128xf32, #tpu.memory_space<vmem>>) dst(%dma_wait3A_56 : memref<10240x128xf32, #tpu.memory_space<vmem_shared>>)
        tpu.yield
      }) : () -> ()
    }
    %scan3A_20 = arith.constant 78 : i32
    %add3A_21 = arith.constant 9984 : i32
    %add3A_22 = arith.addi %mul3A_2, %add3A_21 : i32
    "tpu.region"() ({
      %run_scoped3A = tpu.sem_alloc : memref<!tpu.dma_semaphore, #tpu.memory_space<semaphore_mem>>
      %dma_start3A_41 = tpu.memref_slice %arg3[%add3A_22] : memref<320000xi32, #tpu.memory_space<hbm>> -> memref<16xi32, #tpu.memory_space<hbm>>
      %dma_start3A_42 = tpu.memref_slice %arg3[%add3A_22] : memref<320000xi32, #tpu.memory_space<hbm>> -> memref<16xi32, #tpu.memory_space<hbm>>
      tpu.enqueue_dma source(%dma_start3A_42 : memref<16xi32, #tpu.memory_space<hbm>>) target(%arg8 : memref<16xi32, #tpu.memory_space<vmem>>) target_semaphore(%run_scoped3A : memref<!tpu.dma_semaphore, #tpu.memory_space<semaphore_mem>>)
      %dma_wait3A_43 = tpu.memref_slice %arg3[%add3A_22] : memref<320000xi32, #tpu.memory_space<hbm>> -> memref<16xi32, #tpu.memory_space<hbm>>
      %dma_wait3A_44 = tpu.memref_slice %arg3[%add3A_22] : memref<320000xi32, #tpu.memory_space<hbm>> -> memref<16xi32, #tpu.memory_space<hbm>>
      tpu.wait_dma2 semaphore(%run_scoped3A : memref<!tpu.dma_semaphore, #tpu.memory_space<semaphore_mem>>) src(%dma_wait3A_44 : memref<16xi32, #tpu.memory_space<hbm>>) dst(%arg8 : memref<16xi32, #tpu.memory_space<vmem>>)
      tpu.yield
    }) : () -> ()
    %dma_start3A = arith.constant 0 : i32
    %dma_start3A_23 = arith.constant 0 : i32
    %dma_start3A_24 = tpu.memref_slice %arg10[%dma_start3A, %dma_start3A_23] : memref<128x128xf32, #tpu.memory_space<vmem>> -> memref<16x128xf32, #tpu.memory_space<vmem>>
    %dma_start3A_25 = arith.constant 0 : i32
    %dma_start3A_26 = arith.constant 0 : i32
    %dma_start3A_27 = tpu.memref_slice %arg2[%dma_start3A_25, %dma_start3A_26] : memref<10000x128xf32, #tpu.memory_space<hbm>> -> memref<10000x128xf32, #tpu.memory_space<hbm>>
    tpu.enqueue_indirect_dma source(%dma_start3A_27 : memref<10000x128xf32, #tpu.memory_space<hbm>>) target(%dma_start3A_24 : memref<16x128xf32, #tpu.memory_space<vmem>>) offsets(%arg8 : memref<16xi32, #tpu.memory_space<vmem>>) semaphore(%arg12 : memref<!tpu.dma_semaphore, #tpu.memory_space<semaphore_mem>>)
    "tpu.region"() ({
      %run_scoped3A = tpu.sem_alloc : memref<!tpu.dma_semaphore, #tpu.memory_space<semaphore_mem>>
      %dma_start3A_41 = tpu.memref_slice %arg4[%add3A_22] : memref<320000xi32, #tpu.memory_space<hbm>> -> memref<16xi32, #tpu.memory_space<hbm>>
      %dma_start3A_42 = tpu.memref_slice %arg4[%add3A_22] : memref<320000xi32, #tpu.memory_space<hbm>> -> memref<16xi32, #tpu.memory_space<hbm>>
      tpu.enqueue_dma source(%dma_start3A_42 : memref<16xi32, #tpu.memory_space<hbm>>) target(%arg9 : memref<16xi32, #tpu.memory_space<vmem>>) target_semaphore(%run_scoped3A : memref<!tpu.dma_semaphore, #tpu.memory_space<semaphore_mem>>)
      %dma_wait3A_43 = tpu.memref_slice %arg4[%add3A_22] : memref<320000xi32, #tpu.memory_space<hbm>> -> memref<16xi32, #tpu.memory_space<hbm>>
      %dma_wait3A_44 = tpu.memref_slice %arg4[%add3A_22] : memref<320000xi32, #tpu.memory_space<hbm>> -> memref<16xi32, #tpu.memory_space<hbm>>
      tpu.wait_dma2 semaphore(%run_scoped3A : memref<!tpu.dma_semaphore, #tpu.memory_space<semaphore_mem>>) src(%dma_wait3A_44 : memref<16xi32, #tpu.memory_space<hbm>>) dst(%arg9 : memref<16xi32, #tpu.memory_space<vmem>>)
      tpu.yield
    }) : () -> ()
    %dma_wait3A = arith.constant 0 : i32
    %dma_wait3A_28 = arith.constant 0 : i32
    %dma_wait3A_29 = tpu.memref_slice %arg10[%dma_wait3A, %dma_wait3A_28] : memref<128x128xf32, #tpu.memory_space<vmem>> -> memref<16x128xf32, #tpu.memory_space<vmem>>
    %dma_wait3A_30 = arith.constant 0 : i32
    %dma_wait3A_31 = arith.constant 0 : i32
    %dma_wait3A_32 = tpu.memref_slice %arg2[%dma_wait3A_30, %dma_wait3A_31] : memref<10000x128xf32, #tpu.memory_space<hbm>> -> memref<10000x128xf32, #tpu.memory_space<hbm>>
    tpu.wait_indirect_dma semaphore(%arg12 : memref<!tpu.dma_semaphore, #tpu.memory_space<semaphore_mem>>) src(%dma_wait3A_32 : memref<10000x128xf32, #tpu.memory_space<hbm>>) dst(%dma_wait3A_29 : memref<16x128xf32, #tpu.memory_space<vmem>>)
    "tpu.region"() ({
      %run_scoped3A = tpu.sem_alloc : memref<!tpu.dma_semaphore, #tpu.memory_space<semaphore_mem>>
      %dma_start3A_41 = arith.constant 0 : i32
      %dma_start3A_42 = arith.constant 0 : i32
      %dma_start3A_43 = tpu.memref_slice %arg10[%dma_start3A_41, %dma_start3A_42] : memref<128x128xf32, #tpu.memory_space<vmem>> -> memref<16x128xf32, #tpu.memory_space<vmem>>
      %dma_start3A_44 = arith.constant 0 : i32
      %dma_start3A_45 = arith.constant 0 : i32
      %dma_start3A_46 = tpu.memref_slice %arg11[%dma_start3A_44, %dma_start3A_45] : memref<10240x128xf32, #tpu.memory_space<vmem_shared>> -> memref<10240x128xf32, #tpu.memory_space<vmem_shared>>
      tpu.enqueue_indirect_dma source(%dma_start3A_43 : memref<16x128xf32, #tpu.memory_space<vmem>>) target(%dma_start3A_46 : memref<10240x128xf32, #tpu.memory_space<vmem_shared>>) offsets(%arg9 : memref<16xi32, #tpu.memory_space<vmem>>) semaphore(%run_scoped3A : memref<!tpu.dma_semaphore, #tpu.memory_space<semaphore_mem>>) {add = true}
      %dma_wait3A_47 = arith.constant 0 : i32
      %dma_wait3A_48 = arith.constant 0 : i32
      %dma_wait3A_49 = tpu.memref_slice %arg10[%dma_wait3A_47, %dma_wait3A_48] : memref<128x128xf32, #tpu.memory_space<vmem>> -> memref<16x128xf32, #tpu.memory_space<vmem>>
      %dma_wait3A_50 = arith.constant 0 : i32
      %dma_wait3A_51 = arith.constant 0 : i32
      %dma_wait3A_52 = tpu.memref_slice %arg11[%dma_wait3A_50, %dma_wait3A_51] : memref<10240x128xf32, #tpu.memory_space<vmem_shared>> -> memref<10240x128xf32, #tpu.memory_space<vmem_shared>>
      tpu.wait_indirect_dma semaphore(%run_scoped3A : memref<!tpu.dma_semaphore, #tpu.memory_space<semaphore_mem>>) src(%dma_wait3A_49 : memref<16x128xf32, #tpu.memory_space<vmem>>) dst(%dma_wait3A_52 : memref<10240x128xf32, #tpu.memory_space<vmem_shared>>)
      tpu.yield
    }) : () -> ()
    %barrier3A_33 = arith.constant 0 : index
    tpu.barrier barrier_id(%barrier3A_33)
    %mul3A_34 = arith.constant 624 : i32
    %mul3A_35 = arith.muli %arg1, %mul3A_34 : i32
    %mul3A_36 = arith.constant 10000 : i32
    %mul3A_37 = arith.muli %arg0, %mul3A_36 : i32
    %add3A_38 = arith.addi %mul3A_37, %mul3A_35 : i32
    "tpu.region"() ({
      %run_scoped3A = tpu.sem_alloc : memref<!tpu.dma_semaphore, #tpu.memory_space<semaphore_mem>>
      %dma_start3A_41 = arith.constant 0 : i32
      %dma_start3A_42 = tpu.memref_slice %arg5[%add3A_38, %dma_start3A_41] : memref<20000x128xf32, #tpu.memory_space<hbm>> -> memref<624x128xf32, #tpu.memory_space<hbm>>
      %dma_start3A_43 = arith.constant 0 : i32
      %dma_start3A_44 = tpu.memref_slice %arg11[%mul3A_35, %dma_start3A_43] : memref<10240x128xf32, #tpu.memory_space<vmem_shared>> -> memref<624x128xf32, #tpu.memory_space<vmem_shared>>
      tpu.enqueue_dma source(%dma_start3A_44 : memref<624x128xf32, #tpu.memory_space<vmem_shared>>) target(%dma_start3A_42 : memref<624x128xf32, #tpu.memory_space<hbm>>) target_semaphore(%run_scoped3A : memref<!tpu.dma_semaphore, #tpu.memory_space<semaphore_mem>>)
      %dma_wait3A_45 = arith.constant 0 : i32
      %dma_wait3A_46 = tpu.memref_slice %arg5[%add3A_38, %dma_wait3A_45] : memref<20000x128xf32, #tpu.memory_space<hbm>> -> memref<624x128xf32, #tpu.memory_space<hbm>>
      %dma_wait3A_47 = arith.constant 0 : i32
      %dma_wait3A_48 = tpu.memref_slice %arg11[%mul3A_35, %dma_wait3A_47] : memref<10240x128xf32, #tpu.memory_space<vmem_shared>> -> memref<624x128xf32, #tpu.memory_space<vmem_shared>>
      tpu.wait_dma2 semaphore(%run_scoped3A : memref<!tpu.dma_semaphore, #tpu.memory_space<semaphore_mem>>) src(%dma_wait3A_48 : memref<624x128xf32, #tpu.memory_space<vmem_shared>>) dst(%dma_wait3A_46 : memref<624x128xf32, #tpu.memory_space<hbm>>)
      tpu.yield
    }) : () -> ()
    %eq3A = arith.constant 15 : i32
    %eq3A_39 = arith.cmpi eq, %arg1, %eq3A : i32
    %convert_element_type3A = arith.extui %eq3A_39 : i1 to i32
    %cond3A = arith.constant 0 : i32
    %cond3A_40 = arith.cmpi ne, %convert_element_type3A, %cond3A : i32
    scf.if %cond3A_40 {
      %mul3A_41 = arith.constant 10000 : i32
      %mul3A_42 = arith.muli %arg0, %mul3A_41 : i32
      %add3A_43 = arith.constant 9984 : i32
      %add3A_44 = arith.addi %mul3A_42, %add3A_43 : i32
      "tpu.region"() ({
        %run_scoped3A = tpu.sem_alloc : memref<!tpu.dma_semaphore, #tpu.memory_space<semaphore_mem>>
        %dma_start3A_45 = arith.constant 0 : i32
        %dma_start3A_46 = tpu.memref_slice %arg5[%add3A_44, %dma_start3A_45] : memref<20000x128xf32, #tpu.memory_space<hbm>> -> memref<16x128xf32, #tpu.memory_space<hbm>>
        %dma_start3A_47 = arith.constant 9984 : i32
        %dma_start3A_48 = arith.constant 0 : i32
        %dma_start3A_49 = tpu.memref_slice %arg11[%dma_start3A_47, %dma_start3A_48] : memref<10240x128xf32, #tpu.memory_space<vmem_shared>> -> memref<16x128xf32, #tpu.memory_space<vmem_shared>>
        tpu.enqueue_dma source(%dma_start3A_49 : memref<16x128xf32, #tpu.memory_space<vmem_shared>>) target(%dma_start3A_46 : memref<16x128xf32, #tpu.memory_space<hbm>>) target_semaphore(%run_scoped3A : memref<!tpu.dma_semaphore, #tpu.memory_space<semaphore_mem>>)
        %dma_wait3A_50 = arith.constant 0 : i32
        %dma_wait3A_51 = tpu.memref_slice %arg5[%add3A_44, %dma_wait3A_50] : memref<20000x128xf32, #tpu.memory_space<hbm>> -> memref<16x128xf32, #tpu.memory_space<hbm>>
        %dma_wait3A_52 = arith.constant 9984 : i32
        %dma_wait3A_53 = arith.constant 0 : i32
        %dma_wait3A_54 = tpu.memref_slice %arg11[%dma_wait3A_52, %dma_wait3A_53] : memref<10240x128xf32, #tpu.memory_space<vmem_shared>> -> memref<16x128xf32, #tpu.memory_space<vmem_shared>>
        tpu.wait_dma2 semaphore(%run_scoped3A : memref<!tpu.dma_semaphore, #tpu.memory_space<semaphore_mem>>) src(%dma_wait3A_54 : memref<16x128xf32, #tpu.memory_space<vmem_shared>>) dst(%dma_wait3A_51 : memref<16x128xf32, #tpu.memory_space<hbm>>)
        tpu.yield
      }) : () -> ()
    } else {
    }
    return
  }
}

module attributes {stable_mosaic.version = 14 : i64} {
  func.func @_stage1_body(%arg0: i32, %arg1: memref<1000x128xf32, #tpu.memory_space<vmem>>, %arg2: memref<128x128xf32, #tpu.memory_space<vmem>>, %arg3: memref<1x128xf32, #tpu.memory_space<vmem>>, %arg4: memref<1000x128xf32, #tpu.memory_space<vmem>>) attributes {dimension_semantics = [#tpu.dimension_semantics<arbitrary>], iteration_bounds = array<i64: 10>, scalar_prefetch = 0 : i64, scratch_operands = 0 : i64, tpu.core_type = #tpu.core_type<tc>, window_params = [{transform_indices = @transform_0, window_bounds = array<i64: 1000, 128>}, {pipeline_mode = #tpu.pipeline_mode<synchronous>, transform_indices = @transform_1, window_bounds = array<i64: 128, 128>}, {pipeline_mode = #tpu.pipeline_mode<synchronous>, transform_indices = @transform_2, window_bounds = array<i64: 1, 128>}, {transform_indices = @transform_3, window_bounds = array<i64: 1000, 128>}]} {
    %get3A = arith.constant 0 : index
    %get3A_0 = arith.constant 0 : index
    %get3A_1 = vector.load %arg1[%get3A, %get3A_0] : memref<1000x128xf32, #tpu.memory_space<vmem>>, vector<1000x128xf32>
    %get3A_2 = arith.constant 0 : index
    %get3A_3 = arith.constant 0 : index
    %get3A_4 = vector.load %arg2[%get3A_2, %get3A_3] : memref<128x128xf32, #tpu.memory_space<vmem>>, vector<128x128xf32>
    %dot_general3A = arith.constant dense<0.000000e+00> : vector<1000x128xf32>
    %dot_general3A_5 = tpu.matmul %get3A_1, %get3A_4, %dot_general3A {dimension_numbers = #tpu.dot_dimension_numbers<[1], [0], [0], [1], [0, 0, 1, 1], [], []>, transpose_lhs_hint = false} : vector<1000x128xf32>, vector<128x128xf32>, vector<1000x128xf32> -> vector<1000x128xf32>
    %get3A_6 = arith.constant 0 : index
    %get3A_7 = arith.constant 0 : index
    %get3A_8 = vector.load %arg3[%get3A_6, %get3A_7] : memref<1x128xf32, #tpu.memory_space<vmem>>, vector<1x128xf32>
    %add3A = vector.broadcast %get3A_8 : vector<1x128xf32> to vector<1000x128xf32>
    %add3A_9 = arith.addf %dot_general3A_5, %add3A : vector<1000x128xf32>
    %swap3A = arith.constant 0 : index
    %swap3A_10 = arith.constant 0 : index
    %swap3A_11 = vector.load %arg4[%swap3A, %swap3A_10] : memref<1000x128xf32, #tpu.memory_space<vmem>>, vector<1000x128xf32>
    tpu.vector_store %arg4[%swap3A, %swap3A_10], %add3A_9 {strides = array<i32>} : memref<1000x128xf32, #tpu.memory_space<vmem>>, vector<1000x128xf32>,
    return
  }
  func.func @transform_0(%arg0: i32) -> (i32, i32) {
    %c0_i32 = arith.constant 0 : i32
    %c0_i32_0 = arith.constant 0 : i32
    return %arg0, %c0_i32 : i32, i32
  }
  func.func @transform_1(%arg0: i32) -> (i32, i32) {
    %c0_i32 = arith.constant 0 : i32
    %c0_i32_0 = arith.constant 0 : i32
    %c0_i32_1 = arith.constant 0 : i32
    return %c0_i32, %c0_i32_0 : i32, i32
  }
  func.func @transform_2(%arg0: i32) -> (i32, i32) {
    %c0_i32 = arith.constant 0 : i32
    %c0_i32_0 = arith.constant 0 : i32
    %c0_i32_1 = arith.constant 0 : i32
    return %c0_i32, %c0_i32_0 : i32, i32
  }
  func.func @transform_3(%arg0: i32) -> (i32, i32) {
    %c0_i32 = arith.constant 0 : i32
    %c0_i32_0 = arith.constant 0 : i32
    return %arg0, %c0_i32 : i32, i32
  }
}

module attributes {stable_mosaic.version = 14 : i64} {
  func.func @_stage3_body(%arg0: i32, %arg1: memref<1000x128xf32, #tpu.memory_space<vmem>>, %arg2: memref<1000x128xf32, #tpu.memory_space<vmem>>, %arg3: memref<1000x128xf32, #tpu.memory_space<vmem>>, %arg4: memref<128x128xf32, #tpu.memory_space<vmem>>, %arg5: memref<1000x128xf32, #tpu.memory_space<vmem>>) attributes {dimension_semantics = [#tpu.dimension_semantics<arbitrary>], iteration_bounds = array<i64: 10>, scalar_prefetch = 0 : i64, scratch_operands = 0 : i64, tpu.core_type = #tpu.core_type<tc>, window_params = [{transform_indices = @transform_0, window_bounds = array<i64: 1000, 128>}, {transform_indices = @transform_1, window_bounds = array<i64: 1000, 128>}, {transform_indices = @transform_2, window_bounds = array<i64: 1000, 128>}, {pipeline_mode = #tpu.pipeline_mode<synchronous>, transform_indices = @transform_3, window_bounds = array<i64: 128, 128>}, {transform_indices = @transform_4, window_bounds = array<i64: 1000, 128>}]} {
    %get3A = arith.constant 0 : index
    %get3A_0 = arith.constant 0 : index
    %get3A_1 = vector.load %arg1[%get3A, %get3A_0] : memref<1000x128xf32, #tpu.memory_space<vmem>>, vector<1000x128xf32>
    %get3A_2 = arith.constant 0 : index
    %get3A_3 = arith.constant 0 : index
    %get3A_4 = vector.load %arg2[%get3A_2, %get3A_3] : memref<1000x128xf32, #tpu.memory_space<vmem>>, vector<1000x128xf32>
    %add3A = arith.addf %get3A_1, %get3A_4 : vector<1000x128xf32>
    %get3A_5 = arith.constant 0 : index
    %get3A_6 = arith.constant 0 : index
    %get3A_7 = vector.load %arg3[%get3A_5, %get3A_6] : memref<1000x128xf32, #tpu.memory_space<vmem>>, vector<1000x128xf32>
    %get3A_8 = arith.constant 0 : index
    %get3A_9 = arith.constant 0 : index
    %get3A_10 = vector.load %arg4[%get3A_8, %get3A_9] : memref<128x128xf32, #tpu.memory_space<vmem>>, vector<128x128xf32>
    %dot_general3A = arith.constant dense<0.000000e+00> : vector<1000x128xf32>
    %dot_general3A_11 = tpu.matmul %get3A_7, %get3A_10, %dot_general3A {dimension_numbers = #tpu.dot_dimension_numbers<[1], [0], [0], [1], [0, 0, 1, 1], [], []>, transpose_lhs_hint = false} : vector<1000x128xf32>, vector<128x128xf32>, vector<1000x128xf32> -> vector<1000x128xf32>
    %add3A_12 = arith.addf %add3A, %dot_general3A_11 : vector<1000x128xf32>
    %swap3A = arith.constant 0 : index
    %swap3A_13 = arith.constant 0 : index
    %swap3A_14 = vector.load %arg5[%swap3A, %swap3A_13] : memref<1000x128xf32, #tpu.memory_space<vmem>>, vector<1000x128xf32>
    tpu.vector_store %arg5[%swap3A, %swap3A_13], %add3A_12 {strides = array<i32>} : memref<1000x128xf32, #tpu.memory_space<vmem>>, vector<1000x128xf32>,
    return
  }
  func.func @transform_0(%arg0: i32) -> (i32, i32) {
    %c0_i32 = arith.constant 0 : i32
    %c0_i32_0 = arith.constant 0 : i32
    return %arg0, %c0_i32 : i32, i32
  }
  func.func @transform_1(%arg0: i32) -> (i32, i32) {
    %c0_i32 = arith.constant 0 : i32
    %c0_i32_0 = arith.constant 0 : i32
    return %arg0, %c0_i32 : i32, i32
  }
  func.func @transform_2(%arg0: i32) -> (i32, i32) {
    %c0_i32 = arith.constant 0 : i32
    %c0_i32_0 = arith.constant 0 : i32
    return %arg0, %c0_i32 : i32, i32
  }
  func.func @transform_3(%arg0: i32) -> (i32, i32) {
    %c0_i32 = arith.constant 0 : i32
    %c0_i32_0 = arith.constant 0 : i32
    %c0_i32_1 = arith.constant 0 : i32
    return %c0_i32, %c0_i32_0 : i32, i32
  }
  func.func @transform_4(%arg0: i32) -> (i32, i32) {
    %c0_i32 = arith.constant 0 : i32
    %c0_i32_0 = arith.constant 0 : i32
    return %arg0, %c0_i32 : i32, i32
  }
}

</mosaic_0001>

<sc_bundles>
// kernel: kernel.5.cloned.1.call-start
scs
__scs_entry_jumppad:
0x0: {  	(pc) =	sbr.rel $0x88, $3  }
0x1: {  	(tag) =	ssettag $0x0;
	lr =	simm.s32 $0x1  }
0x2: {  	[smem:$0x3F9C] =	sst lr;
	_ =	strace $0xD0000000  }
0x3: {  	_ = 	snop  }
0x4: {  	_ = 	snop  }
0x5: {  	_ = 	snop  }
0x6: {  	_ = 	snop  }
0x7: {  	_ = 	snop  }
__scs_overlays_trampoline_lowered:
0x8: {  	[smem:$0x3FAB] =	sst s0  }
0x9: {  	[smem:$0x3FAC] =	sst s1  }
0xa: {  	[smem:$0x3FAD] =	sst s2  }
0xb: {  	[smem:$0x3FAE] =	sst s3  }
0xc: {  	[smem:$0x3FAF] =	sst s4  }
0xd: {  	[smem:$0x3FB0] =	sst s5  }
0xe: {  	[smem:$0x3FB1] =	sst s6  }
0xf: {  	[smem:$0x3FB2] =	sst s7  }
0x10: {  	[smem:$0x3FB3] =	sst s8  }
0x11: {  	[smem:$0x3FB4] =	sst s9;
	s0 =	simm.s32 @!p0 $0x0  }
0x12: {  	s1 =	sld [smem:$0x3F9A];
	s0 =	simm.s32 @p0 $0x1  }
0x13: {  	[smem:$0x3FB5] =	sst s0;
	s0 =	simm.s32 @!p1 $0x0  }
0x14: {  	s2 =	sld [smem:$0x3F99];
	s0 =	simm.s32 @p1 $0x1  }
0x15: {  	[smem:$0x3FB6] =	sst s0;
	s0 =	simm.s32 @!p2 $0x0  }
0x16: {  	s3 =	sld [smem:$0x3FDB];
	s0 =	simm.s32 @p2 $0x1  }
0x17: {  	s4 =	simm.s32 $0x1BF5;
	[smem:$0x3FB8] =	sst s0  }
0x18: {  	s0 =	sld [smem:$0x3F9B];
	_ =	swait.ge [sflag:s4], $0x0  }
0x19: {  	s7 =	sld [smem:$0x3F9C]  }
0x1a: {  	s8 =	sadd.s32 $0xFFFFE003, lr  }
0x1b: {  	s9 =	sadd.s32 $0xFFFFFEF7, lr;
	s5 =	simm.s32 $0xFFFFFFFF;
	p2 =	slt.u32 s8, $0xFFFFF086  }
0x1c: {  	p1 =	slt.u32 s9, $0xF7A;
	s5 =	simm.s32 @!p2 $0x0  }
0x1d: {  	s5 =	simm.s32 @p1 $0x1;
	p0 =	seq.s32 s7, s2  }
0x1e: {  	s7 =	smul.u32 @!p0 $0xF7A, s2;
	p2 =	seq.s32 @!p0 s5, $0x0  }
0x1f: {  	s9 =	smul.u32 $0xF7A, s1;
	s8 =	simm.s32 @!p0 $0x1BF5;
	p2 =	por !p2, p0  }
0x20: {  	[sflag:s8] =	ssyncset.s32 @!p0 $0xFFFFF086;
	s6 =	sadd.s32 @!p0 s3, s7;
	s7 =	simm.s32 @!p0 $0x108  }
0x21: {  	s3 =	sadd.s32 s3, s9;
	s6 =	sadd.s32 @!p0 $0x88, s6;
	s7 =	simm.s32 @p2 $0x1082  }
0x22: {  	[simem:s7], [sflag:s8] =	dma.local @!p0 [hbm:s6], $0xF7A  }
0x23: {  	s9 =	sor.u32 $0xD0000000, s2;
	s6 =	simm.s32 $0x108;
	_ =	swait.ge @!p0 [sflag:s8], $0x0  }
0x24: {  	s3 =	sadd.s32 $0x88, s3;
	s6 =	simm.s32 @!p1 $0x1082;
	[sflag:s4] =	ssyncset.s32 $0xFFFFF086  }
0x25: {  	[simem:s6], [sflag:s4] =	dma.local [hbm:s3], $0xF7A  }
0x26: {  	[smem:$0x3F9C] =	sst s1;
	(tag) =	ssettag s2;
	_ =	strace s9  }
0x27: {  	s1 =	sld [smem:$0x3FAC]  }
0x28: {  	s2 =	sld [smem:$0x3FAD]  }
0x29: {  	s4 =	sld [smem:$0x3FAF]  }
0x2a: {  	p0 =	seq.s32 s5, $0x0;
	s5 =	sld [smem:$0x3FB0]  }
0x2b: {  	s6 =	sld [smem:$0x3FB1]  }
0x2c: {  	s7 =	sld [smem:$0x3FB2]  }
0x2d: {  	s3 =	simm.s32 $0x108;
	s8 =	sld [smem:$0x3FB3]  }
0x2e: {  	s3 =	simm.s32 @!p0 $0x1082;
	s9 =	sld [smem:$0x3FB4]  }
0x2f: {  	lr =	sadd.s32 s0, s3;
	s0 =	sld [smem:$0x3FAB]  }
0x30: {  	s3 =	sld [smem:$0x3FAE]  }
0x31: {  	[smem:$0x3FB7] =	sst s10  }
0x32: {  	s10 =	sld [smem:$0x3FB5];
	_ =	sdelay $0x3  }
0x33: {  	p0 =	seq.s32 s10, $0x1;
	s10 =	sld [smem:$0x3FB7];
	_ =	sdelay $0x3  }
0x34: {  	[smem:$0x3FB7] =	sst s10  }
0x35: {  	s10 =	sld [smem:$0x3FB6];
	_ =	sdelay $0x3  }
0x36: {  	p1 =	seq.s32 s10, $0x1;
	s10 =	sld [smem:$0x3FB7];
	_ =	sdelay $0x3  }
0x37: {  	[smem:$0x3FB7] =	sst s10  }
0x38: {  	s10 =	sld [smem:$0x3FB8]  }
0x39: {  	_ = 	snop;
	(pc) =	sbr.ind lr, $3  }
0x3a: {  	_ = 	snop  }
0x3b: {  	_ = 	snop  }
0x3c: {  	p2 =	seq.s32 s10, $0x1;
	s10 =	sld [smem:$0x3FB7]  }
0x3d: {  	_ =	shalt  }
0x3e: {  	_ =	shalt  }
0x3f: {  	_ =	shalt  }
0x40: {  	_ =	shalt  }
0x41: {  	_ =	shalt  }
0x42: {  	_ =	shalt  }
0x43: {  	_ =	shalt  }
0x44: {  	_ =	shalt  }
0x45: {  	_ =	shalt  }
0x46: {  	_ =	shalt  }
0x47: {  	_ =	shalt  }
0x48: {  	_ =	shalt  }
0x49: {  	_ =	shalt  }
0x4a: {  	_ =	shalt  }
0x4b: {  	_ =	shalt  }
0x4c: {  	_ =	shalt  }
0x4d: {  	_ =	shalt  }
0x4e: {  	_ =	shalt  }
0x4f: {  	_ =	shalt  }
0x50: {  	_ =	shalt  }
0x51: {  	_ =	shalt  }
0x52: {  	_ =	shalt  }
0x53: {  	_ =	shalt  }
0x54: {  	_ =	shalt  }
0x55: {  	_ =	shalt  }
0x56: {  	_ =	shalt  }
0x57: {  	_ =	shalt  }
0x58: {  	_ =	shalt  }
0x59: {  	_ =	shalt  }
0x5a: {  	_ =	shalt  }
0x5b: {  	_ =	shalt  }
0x5c: {  	_ =	shalt  }
0x5d: {  	_ =	shalt  }
0x5e: {  	_ =	shalt  }
0x5f: {  	_ =	shalt  }
0x60: {  	_ =	shalt  }
0x61: {  	_ =	shalt  }
0x62: {  	_ =	shalt  }
0x63: {  	_ =	shalt  }
0x64: {  	_ =	shalt  }
0x65: {  	_ =	shalt  }
0x66: {  	_ =	shalt  }
0x67: {  	_ =	shalt  }
0x68: {  	_ =	shalt  }
0x69: {  	_ =	shalt  }
0x6a: {  	_ =	shalt  }
0x6b: {  	_ =	shalt  }
0x6c: {  	_ =	shalt  }
0x6d: {  	_ =	shalt  }
0x6e: {  	_ =	shalt  }
0x6f: {  	_ =	shalt  }
0x70: {  	_ =	shalt  }
0x71: {  	_ =	shalt  }
0x72: {  	_ =	shalt  }
0x73: {  	_ =	shalt  }
0x74: {  	_ =	shalt  }
0x75: {  	_ =	shalt  }
0x76: {  	_ =	shalt  }
0x77: {  	_ =	shalt  }
0x78: {  	_ =	shalt  }
0x79: {  	_ =	shalt  }
0x7a: {  	_ =	shalt  }
0x7b: {  	_ =	shalt  }
0x7c: {  	_ =	shalt  }
0x7d: {  	_ =	shalt  }
0x7e: {  	_ =	shalt  }
0x7f: {  	_ =	shalt  }
0x80: {  	_ =	shalt  }
0x81: {  	_ =	shalt  }
0x82: {  	_ =	shalt  }
0x83: {  	_ =	shalt  }
0x84: {  	_ =	shalt  }
0x85: {  	_ =	shalt  }
0x86: {  	_ =	shalt  }
0x87: {  	_ =	shalt  }
.Lfunc_end0:
.L_simem_size_0:
called_computation_lowered:
.L_overlay_start_0:
0x88: {  	s2 =	sld [smem:$0x3FD9]  }
0x89: {  	s3 =	sld [smem:$0x3FFE];
	_ =	sdelay $0x1  }
0x8a: {  	s1 =	srdreg.scid  }
0x8b: {  	s0 =	sand.u32 $0x1, s1  }
0x8c: {  	s17 =	sshll.u32 s0, $0xA;
	s2 =	sadd.s32 s3, s2  }
0x8d: {  	s2 =	sadd.s32 s2, s17  }
0x8e: {  	[smem:$0x3FC3] =	sst s2  }
0x8f: {  	_ = 	snop  }
0x90: {  	s2 =	sld [smem:$0x3FD0];
	(tm) =	ssettm $0x1  }
0x91: {  	s18 =	sld [smem:$0x3FFB];
	_ =	sdelay $0x3  }
0x92: {  	_ =	strace s18  }
0x93: {  	s3 =	sld [smem:$0x3FFC];
	_ =	sdelay $0x3  }
0x94: {  	_ =	strace s3  }
0x95: {  	s3 =	sld [smem:$0x3FFD];
	_ =	sdelay $0x3  }
0x96: {  	_ =	strace s3  }
0x97: {  	_ =	strace $0x8FFFFFFF  }
0x98: {  	s19 =	sld [smem:$0x3FDB];
	_ =	sdelay $0x1  }
0x99: {  	s4 =	simm.s32 $_scs_section_size  }
0x9a: {  	s5 =	simm.s32 $_size__tile_overlayer_lowered;
	s6 =	simm.s32 $_tile_overlayer_lowered  }
0x9b: {  	s22 =	simm.s32 $0x1BFF;
	s21 =	sshll.u32 s6, $0x1;
	s3 =	sadd.s32 s4, s19  }
0x9c: {  	s7 =	simm.s32 $0x0;
	s20 =	sshll.u32 s5, $0x1;
	s5 =	sadd.s32 s21, s3  }
0x9d: {  	[timem:s7], [sflag:s22] =	dma.local [hbm:s5], s20  }
0x9e: {  	_ =	swait.ge [sflag:s22], s20  }
0x9f: {  	s4 =	ssub.s32 $0x0, s20;
	[sflag:s22] =	ssyncset.done $0x0  }
0xa0: {  	[sflag:s22] =	ssyncadd.s32 s4;
	_ =	sdelay $0x1  }
0xa1: {  	s23 =	simm.s32 $0x1B8B  }
0xa2: {  	_ =	swait.ge [sflag:s23], $0x1  }
0xa3: {  	[sflag:s23] =	ssyncset.done $0x0  }
0xa4: {  	s25 =	simm.s32 $0x1B8E;
	s24 =	sld [smem:$0x3FFE];
	[sflag:s23] =	ssyncadd.s32 $0xFFFFFFFF  }
0xa5: {  	s26 =	simm.s32 $execute0_lowered;
	[smem:$0x3FD2] =	sst s25  }
0xa6: {  	s5 =	sshll.u32 s26, $0x1;
	_ =	strace $0x80000046;
	[dreg:$0x1] =	wrdreg $0xFFFFFFFF  }
0xa7: {  	s28 =	simm.s32 $_size_execute0_lowered;
	s3 =	sadd.s32 s3, s5;
	[dreg:$0x0] =	wrdreg $0x0  }
0xa8: {  	s5 =	sshll.u32 s28, $0x1;
	[dreg:$0x2] =	wrdreg s3  }
0xa9: {  	[dreg:$0x3] =	wrdreg s5  }
0xaa: {  	[dreg:$0x4] =	wrdreg $0xC0  }
0xab: {  	_ =	task [dreg:s7], $0x5FFFF  }
0xac: {  	[dreg:$0x1] =	wrdreg $0xFFFFFFFF  }
0xad: {  	[dreg:$0x0] =	wrdreg $0x60  }
0xae: {  	[dreg:$0x2] =	wrdreg s2  }
0xaf: {  	[dreg:$0x3] =	wrdreg s24  }
0xb0: {  	[dreg:$0x4] =	wrdreg $0x42000  }
0xb1: {  	[dreg:$0x5] =	wrdreg $0x9  }
0xb2: {  	_ =	task.clear_ibuf [dreg:s7], $0x6FFFF;
	_ =	strace $0x90000046  }
0xb3: {  	s29 =	simm.s32 $0x9;
	_ =	strace $0x80000048  }
0xb4: {  	_ =	swait.ge [sflag:s29], $0x1  }
0xb5: {  	[sflag:s29] =	ssyncadd.s32 $0xFFFFFFFF  }
0xb6: {  	_ =	strace $0x90000048  }
0xb7: {  	_ =	sfence  }
0xb8: {  	s30 =	sld [smem:$0x0];
	_ =	sdelay $0x2  }
0xb9: {  	s31 =	sshll.u32 s1, $0xD;
	s1 =	sshrl.u32 s1, $0x2  }
0xba: {  	s3 =	sand.u32 $0x4000, s31;
	s1 =	sadd.s32 s1, s30  }
0xbb: {  	s0 =	sor.u32 s3, s0;
	s1 =	sshll.u32 s1, $0x11  }
0xbc: {  	s0 =	sor.u32 s1, s0  }
0xbd: {  	s0 =	sadd.s32 $0x8F2B, s0  }
0xbe: {  	[sflag:s0] =	ssyncadd.remote.s32 $0x1  }
0xbf: {  	_ =	sfence.sel $0xFFFF  }
0xc0: {  	[dreg:$0x0] =	wrdreg $0xFFFFFFFF;
	(pc) =	sbr.abs _section_cstart, $3  }
0xc1: {  	[dreg:$0x1] =	wrdreg $0xFFFFFFFF  }
0xc2: {  	_ =	task.clear_ibuf [dreg:s7], $0x2FFFF;
	_ =	strace $0x9FFFFFFF  }
0xc3: {  	(tm) =	ssettm $0x7FFFFFFF  }
tec
execute0_lowered:
.L_overlay_start_1:
0x0: {  	(tag) =	ssettag $0x1  }
0x1: {  	s1 =	rddreg [dreg:$0x0]  }
0x2: {  	s5 =	rddreg [dreg:$0x1]  }
0x3: {  	s2 =	rddreg [dreg:$0x2];
	s3 =	srdreg.scid  }
0x4: {  	s4 =	simm.s32 $0x0;
	s18 =	simm.s32 $0x2;
	s19 =	simm.s32 $0x80  }
0x5: {  	s20 =	simm.s32 $0x1;
	s6 =	sand.u32 $0x1, s3;
	s3 =	stileid.u32  }
0x6: {  	s21 =	simm.s32 $0x100;
	s22 =	simm.s32 $0x10;
	s9 =	smul.u32 $0x50000, s3  }
0x7: {  	s23 =	simm.s32 $0x180;
	[smem:$0x7FF] =	sst s4;
	s11 =	smul.u32 $0x4E000, s3  }
0x8: {  	s16 =	sadd.s32 $0xA600, s5;
	s15 =	sadd.s32 $0x800, s5;
	s13 =	smul.u32 $0x27100, s6  }
0x9: {  	s10 =	sadd.s32 $0x14400, s5;
	s7 =	sshll.u32 s6, $0x4;
	s26 =	smul.u32 $0x2700, s3  }
0xa: {  	_ =	strace $0x80000047;
	s8 =	ssub.s32 $0x2, s6;
	s29 =	smul.u32 $0x138800, s6  }
0xb: {  	s31 =	smul.u32 $0x2710, s3;
	s7 =	sor.u32 s3, s7;
	s24 =	sshrl.u32 s8, $0x1  }
0xc: {  	p0 =	sne.s32 s3, $0xF;
	s7 =	smul.u32 $0x2710, s7;
	s12 =	ssub.s32 s8, s24  }
0xd: {  	s25 =	sshrl.u32 s9, $0x2;
	s28 =	sshrl.u32 s11, $0x2;
	s8 =	sadd.s32 s26, s13  }
0xe: {  	s30 =	sshrl.u32 s29, $0x3;
	s13 =	sadd.s32 s31, s13;
	s26 =	simm.s32 $0x0  }
0xf: {  	s5 =	sadd.s32 s25, s2;
	s24 =	sadd.s32 s28, s2;
	s8 =	sadd.s32 s10, s8  }
0x10: {  	s25 =	sadd.s32 $0x138000, s2;
	s9 =	sadd.s32 s10, s30;
	s10 =	smax.u32 s12, $0x1  }
0x11: {  	s17 =	sshrl.u32 s13, $0x3;
	s7 =	sshrl.u32 s7, $0x3;
	s9 =	sadd.s32 $0x27000, s9  }
0x12: {  	s11 =	sadd.s32 $0x4000, s5;
	s12 =	sadd.s32 $0x8000, s5;
	s13 =	sadd.s32 $0xC000, s5  }
0x13: {  	s14 =	sadd.s32 $0x10000, s5;
	s24 =	sshrl.u32 s24, $0x3;
	s7 =	sadd.s32 $0x4E0, s7  }
0x14: {  	s25 =	sshrl.u32 @!p0 s25, $0x3;
	s6 =	sadd.s32 s16, s7;
	s7 =	sadd.s32 s15, s7  }
0x15: {  	v0 =	vimm.f32 $0.0e+00;
	s15 =	sadd.s32 s17, s15;
	s16 =	sadd.s32 s17, s16;
	s17 =	simm.s32 $0x200  }
.LBB2_1:
0x16: {  	s28 =	sand.u32 $0xFE00, s4  }
0x17: {  	s29 =	sand.u32 $0x70, s4;
	s30 =	sshrl.u32 s28, $0x2  }
0x18: {  	s28 =	simm.s32 $0x40;
	s30 =	sor.u32 s29, s30;
	s29 =	simm.s32 $0x0  }
.LBB2_2:
0x19: {  	p1 =	sne.s32 s28, $0xFFC0  }
0x1a: {  	[tilespmem:s30+$0x200] =	vst v0;
	s29 =	sadd.s32 $0x10, s29;
	s30 =	smov.u32 s28;
	s28 =	sadd.s32 $0x40, s28  }
.Ltmp0:
0x1b: {  	(pc) =	sbr.rel @p1 .LBB2_2-.Ltmp0, $4  }
0x1c: {  	_ = 	snop  }
0x1d: {  	s30 =	sand.u32 $0xFE00, s30  }
0x1e: {  	s31 =	sand.u32 $0x70, s29;
	s30 =	sshrl.u32 s30, $0x2  }
0x1f: {  	s30 =	sor.u32 s31, s30  }
0x20: {  	[tilespmem:s30+$0x200] =	vst v0  }
0x21: {  	[spmem:s5] =	stream.linear.scatter [tilespmem:s17], [sflag:$0x2], $0x4000, $0x38;
	[tilespmem:$0x18200] =	vst v63  }
0x22: {  	_ =	swait.ge [sflag:s18], $0x4000  }
0x23: {  	[sflag:s18] =	ssyncset.done $0x0  }
0x24: {  	[sflag:s18] =	ssyncadd.s32 $0xFFFFC000  }
0x25: {  	[spmem:s11] =	stream.linear.scatter [tilespmem:s17], [sflag:$0x2], $0x4000, $0x38;
	[tilespmem:$0x18200] =	vst v63  }
0x26: {  	_ =	swait.ge [sflag:s18], $0x4000  }
0x27: {  	[sflag:s18] =	ssyncset.done $0x0  }
0x28: {  	[sflag:s18] =	ssyncadd.s32 $0xFFFFC000  }
0x29: {  	[spmem:s12] =	stream.linear.scatter [tilespmem:s17], [sflag:$0x2], $0x4000, $0x38;
	[tilespmem:$0x18200] =	vst v63  }
0x2a: {  	_ =	swait.ge [sflag:s18], $0x4000  }
0x2b: {  	[sflag:s18] =	ssyncset.done $0x0  }
0x2c: {  	[sflag:s18] =	ssyncadd.s32 $0xFFFFC000  }
0x2d: {  	[spmem:s13] =	stream.linear.scatter [tilespmem:s17], [sflag:$0x2], $0x4000, $0x38;
	[tilespmem:$0x18200] =	vst v63  }
0x2e: {  	_ =	swait.ge [sflag:s18], $0x4000  }
0x2f: {  	[sflag:s18] =	ssyncset.done $0x0  }
0x30: {  	[sflag:s18] =	ssyncadd.s32 $0xFFFFC000  }
0x31: {  	[spmem:s14] =	stream.linear.scatter [tilespmem:s17], [sflag:$0x2], $0x4000, $0x38;
	[tilespmem:$0x18200] =	vst v63  }
0x32: {  	_ =	swait.ge [sflag:s18], $0x4000  }
0x33: {  	[sflag:s18] =	ssyncset.done $0x0  }
0x34: {  	[sflag:s18] =	ssyncadd.s32 $0xFFFFC000  }
0x35: {  	s28 =	sadd.s32 $0x0, s16;
	[bflag:$0x0] =	sbarrier.arrive $0xFFFF  }
0x36: {  	[tilespmem:s4], [sflag:$0x2] =	stream.linear.gather [hbm4b:s28+s4], $0x80, $0x38;
	[tilespmem:$0x18200] =	vst v63  }
0x37: {  	_ =	swait.ge [sflag:s18], $0x80  }
0x38: {  	[sflag:s18] =	ssyncset.done $0x0  }
0x39: {  	[sflag:s18] =	ssyncadd.s32 $0xFFFFFF80  }
0x3a: {  	[tilespmem:s17], [sflag:$0x1] =	stream.indirect.gather [hbm4b:s1+s19], $0x80, s4, s19, $0xb8;
	[tilespmem:$0x18200] =	vst v63  }
0x3b: {  	s28 =	sadd.s32 $0x0, s15  }
0x3c: {  	[tilespmem:s19], [sflag:$0x2] =	stream.linear.gather [hbm4b:s28+s4], $0x80, $0x38;
	[tilespmem:$0x18200] =	vst v63  }
0x3d: {  	_ =	swait.ge [sflag:s18], $0x80  }
0x3e: {  	[sflag:s18] =	ssyncset.done $0x0  }
0x3f: {  	[sflag:s18] =	ssyncadd.s32 $0xFFFFFF80  }
0x40: {  	_ =	swait.ge [sflag:s20], $0x4000  }
0x41: {  	[sflag:s20] =	ssyncset.done $0x0  }
0x42: {  	[sflag:s20] =	ssyncadd.s32 $0xFFFFC000  }
0x43: {  	[spmem:s2] =	stream.indirect.scatter.add.f32 [tilespmem:s17], [sflag:$0x2], $0x80, s19, s19, $0xb8;
	[tilespmem:$0x18200] =	vst v63  }
0x44: {  	_ =	swait.ge [sflag:s18], $0x4000  }
0x45: {  	s29 =	simm.s32 $0x20;
	s28 =	simm.s32 $0x10;
	[sflag:s18] =	ssyncset.done $0x0  }
.LBB2_4:
0x46: {  	s30 =	sadd.s32 s28, s16  }
0x47: {  	[sflag:s18] =	ssyncadd.s32 $0xFFFFC000;
	s31 =	smov.u32 s29;
	s0 =	sadd.s32 $0x10, s29  }
0x48: {  	[tilespmem:s4], [sflag:$0x2] =	stream.linear.gather [hbm4b:s30+s4], $0x80, $0x38;
	[tilespmem:$0x18200] =	vst v63  }
0x49: {  	p1 =	sne.s32 s29, $0x4D0;
	_ =	swait.ge [sflag:s18], $0x80  }
0x4a: {  	[sflag:s18] =	ssyncset.done $0x0  }
0x4b: {  	[sflag:s18] =	ssyncadd.s32 $0xFFFFFF80  }
0x4c: {  	[tilespmem:s17], [sflag:$0x1] =	stream.indirect.gather [hbm4b:s1+s19], $0x80, s4, s19, $0xb8;
	[tilespmem:$0x18200] =	vst v63  }
0x4d: {  	s29 =	sadd.s32 s28, s15;
	s28 =	smov.u32 s31  }
0x4e: {  	[tilespmem:s19], [sflag:$0x2] =	stream.linear.gather [hbm4b:s29+s4], $0x80, $0x38;
	[tilespmem:$0x18200] =	vst v63  }
0x4f: {  	_ =	swait.ge [sflag:s18], $0x80  }
0x50: {  	[sflag:s18] =	ssyncset.done $0x0  }
0x51: {  	[sflag:s18] =	ssyncadd.s32 $0xFFFFFF80  }
0x52: {  	_ =	swait.ge [sflag:s20], $0x4000  }
.Ltmp1:
0x53: {  	[sflag:s20] =	ssyncset.done $0x0;
	(pc) =	sbr.rel @p1 .LBB2_4-.Ltmp1, $4  }
0x54: {  	[sflag:s20] =	ssyncadd.s32 $0xFFFFC000  }
0x55: {  	[spmem:s2] =	stream.indirect.scatter.add.f32 [tilespmem:s17], [sflag:$0x2], $0x80, s19, s19, $0xb8;
	[tilespmem:$0x18200] =	vst v63  }
0x56: {  	_ =	swait.ge [sflag:s18], $0x4000  }
0x57: {  	s29 =	smov.u32 s0;
	[sflag:s18] =	ssyncset.done $0x0  }
0x58: {  	s0 =	sadd.s32 s28, s16;
	[sflag:s18] =	ssyncadd.s32 $0xFFFFC000  }
0x59: {  	[tilespmem:s4], [sflag:$0x2] =	stream.linear.gather [hbm4b:s0+s4], $0x80, $0x38;
	[tilespmem:$0x18200] =	vst v63  }
0x5a: {  	_ =	swait.ge [sflag:s18], $0x80  }
0x5b: {  	[sflag:s18] =	ssyncset.done $0x0  }
0x5c: {  	[sflag:s18] =	ssyncadd.s32 $0xFFFFFF80  }
0x5d: {  	[tilespmem:s17], [sflag:$0x1] =	stream.indirect.gather [hbm4b:s1+s19], $0x80, s4, s19, $0xb8;
	[tilespmem:$0x18200] =	vst v63  }
0x5e: {  	s30 =	sadd.s32 s28, s15  }
0x5f: {  	[tilespmem:s19], [sflag:$0x2] =	stream.linear.gather [hbm4b:s30+s4], $0x80, $0x38;
	[tilespmem:$0x18200] =	vst v63  }
0x60: {  	_ =	swait.ge [sflag:s18], $0x80  }
0x61: {  	[sflag:s18] =	ssyncset.done $0x0  }
0x62: {  	[sflag:s18] =	ssyncadd.s32 $0xFFFFFF80  }
0x63: {  	_ =	swait.ge [sflag:s20], $0x4000  }
0x64: {  	[sflag:s20] =	ssyncset.done $0x0  }
0x65: {  	[sflag:s20] =	ssyncadd.s32 $0xFFFFC000  }
0x66: {  	[spmem:s2] =	stream.indirect.scatter.add.f32 [tilespmem:s17], [sflag:$0x2], $0x80, s19, s19, $0xb8;
	[tilespmem:$0x18200] =	vst v63  }
0x67: {  	_ =	swait.ge [sflag:s18], $0x4000  }
0x68: {  	[sflag:s18] =	ssyncset.done $0x0  }
0x69: {  	[sflag:s18] =	ssyncadd.s32 $0xFFFFC000  }
0x6a: {  	[tilespmem:s21], [sflag:$0x2] =	stream.linear.gather [hbm4b:s6+s4], $0x10, $0x38;
	[tilespmem:$0x18200] =	vst v63  }
0x6b: {  	_ =	swait.ge [sflag:s18], $0x10  }
0x6c: {  	[sflag:s18] =	ssyncset.done $0x0  }
0x6d: {  	[sflag:s18] =	ssyncadd.s32 $0xFFFFFFF0  }
0x6e: {  	[tilespmem:s17], [sflag:$0x1] =	stream.indirect.gather [hbm4b:s1+s22], $0x80, s21, s22, $0xb8;
	[tilespmem:$0x18200] =	vst v63  }
0x6f: {  	_ = 	snop  }
0x70: {  	[tilespmem:s23], [sflag:$0x2] =	stream.linear.gather [hbm4b:s7+s4], $0x10, $0x38;
	[tilespmem:$0x18200] =	vst v63  }
0x71: {  	_ =	swait.ge [sflag:s18], $0x10  }
0x72: {  	[sflag:s18] =	ssyncset.done $0x0  }
0x73: {  	[sflag:s18] =	ssyncadd.s32 $0xFFFFFFF0  }
0x74: {  	_ =	swait.ge [sflag:s20], $0x800  }
0x75: {  	[sflag:s20] =	ssyncset.done $0x0  }
0x76: {  	[sflag:s20] =	ssyncadd.s32 $0xFFFFF800  }
0x77: {  	[spmem:s2] =	stream.indirect.scatter.add.f32 [tilespmem:s17], [sflag:$0x2], $0x80, s23, s22, $0xb8;
	[tilespmem:$0x18200] =	vst v63  }
0x78: {  	_ =	swait.ge [sflag:s18], $0x800  }
0x79: {  	[sflag:s18] =	ssyncset.done $0x0  }
0x7a: {  	s31 =	sshll.u32 s3, $0x6;
	[sflag:s18] =	ssyncadd.s32 $0xFFFFF800  }
0x7b: {  	s0 =	sor.u32 $0x1C02, s31;
	[bflag:$0x0] =	sbarrier.arrive $0xFFFF  }
0x7c: {  	[hbm:s8], [sflag:s0] =	dma.local [spmem:s24], $0x2700  }
0x7d: {  	_ =	swait.ge [sflag:s18], $0x2700  }
0x7e: {  	s26 =	sadd.s32 $0x1, s26;
	[sflag:s18] =	ssyncset.done $0x0  }
0x7f: {  	p1 =	sne.s32 s26, s10;
	[sflag:s18] =	ssyncadd.s32 $0xFFFFD900  }
0x80: {  	[hbm:s9], [sflag:s0] =	dma.local @!p0 [spmem:s25], $0x100  }
.Ltmp2:
0x81: {  	_ = 	snop;
	(pc) =	sbr.rel @p1 .LBB2_1-.Ltmp2, $4  }
0x82: {  	s0 =	simm.s32 @!p0 $0x2  }
0x83: {  	_ =	swait.ge @!p0 [sflag:s0], $0x100  }
0x84: {  	[sflag:s0] =	ssyncset.done @!p0 $0x0  }
0x85: {  	[sflag:s0] =	ssyncadd.s32 @!p0 $0xFFFFFF00  }
0x86: {  	_ =	sfence.sel $0x180000  }
0x87: {  	[bflag:$0x0] =	sbarrier.arrive $0xFFFF  }
0x88: {  	_ =	strace $0x90000047  }
0x89: {  	[bflag:$0x2] =	sbarrier.arrive $0xFFFF  }
0x8a: {  	p0 =	sne.s32 s3, $0x0;
	s0 =	rddreg [dreg:$0x3]  }
0x8b: {  	s0 =	sadd.s32 @!p0 $0x100000, s0  }
0x8c: {  	[sflag:s0] =	ssyncadd.tile.s32 @!p0 $0x1;
	_ =	shalt  }
.Lfunc_end2:
_tile_overlayer_lowered:
.L_overlay_start_2:
0x8d: {  	(tag) =	ssettag $0x2  }
0x8e: {  	s0 =	rddreg [dreg:$0x0];
	s2 =	stileid.u32  }
0x8f: {  	s1 =	rddreg [dreg:$0x1];
	p0 =	sne.s32 s2, $0x0  }
0x90: {  	s3 =	rddreg [dreg:$0x2];
	[bflag:$0x3] =	sbarrier.arrive $0xFFFF;
	s2 =	simm.s32 @!p0 $0x1C02  }
0x91: {  	[timem:s3], [sflag:s2] =	dma.local @!p0 [hbm:s0], s1  }
0x92: {  	s0 =	simm.s32 @!p0 $0x2  }
0x93: {  	_ =	swait.ge @!p0 [sflag:s0], s1  }
0x94: {  	s1 =	ssub.s32 @!p0 $0x0, s1;
	[sflag:s0] =	ssyncset.done @!p0 $0x0  }
0x95: {  	[sflag:s0] =	ssyncadd.s32 @!p0 s1  }
0x96: {  	[bflag:$0x3] =	sbarrier.arrive $0xFFFF  }
0x97: {  	_ =	shalt  }

</sc_bundles>
